<compile_context>
chip_gen: v7x
topology: tpu7x:2x2x1
jax: 0.10.2.dev20260603
libtpu: 0.0.44.dev20260713+nightly
codegen_flags: <defaults>
</compile_context>

<pallas_src>
import functools

import jax
import jax.numpy as jnp
from jax import lax
from jax.experimental import pallas as pl
from jax.experimental.pallas import tpu as pltpu
from jax.experimental.pallas import tpu_sc as plsc

N_ROWS = 50000
BN = 1000
NB = N_ROWS // BN
N_SEL = 100
PAD_ROWS = 392
B_G = 256
D_IN = 1024
D1 = 512
D2 = 256


def _score_body(h_ref, wfc_ref, bfc_ref, wa_ref, ba_ref, wb_ref, bb_ref,
                wc_ref, out_ref):
    h1 = jnp.maximum(
        jnp.dot(h_ref[...], wfc_ref[...], preferred_element_type=jnp.float32)
        + bfc_ref[...], 0.0)
    a = jnp.tanh(
        jnp.dot(h1, wa_ref[...], preferred_element_type=jnp.float32)
        + ba_ref[...])
    g = jax.nn.sigmoid(
        jnp.dot(h1, wb_ref[...], preferred_element_type=jnp.float32)
        + bb_ref[...])
    out_ref[...] = jnp.sum(a * g * wc_ref[...], axis=1)[None, None, :]


def _scores(h, W_fc, b_fc, Wa, ba, Wb, bb, Wc):
    return pl.pallas_call(
        _score_body,
        grid=(NB,),
        in_specs=[
            pl.BlockSpec((BN, D_IN), lambda i: (i, 0)),
            pl.BlockSpec((D_IN, D1), lambda i: (0, 0)),
            pl.BlockSpec((1, D1), lambda i: (0, 0)),
            pl.BlockSpec((D1, D2), lambda i: (0, 0)),
            pl.BlockSpec((1, D2), lambda i: (0, 0)),
            pl.BlockSpec((D1, D2), lambda i: (0, 0)),
            pl.BlockSpec((1, D2), lambda i: (0, 0)),
            pl.BlockSpec((1, D2), lambda i: (0, 0)),
        ],
        out_specs=pl.BlockSpec((1, 1, BN), lambda i: (i, 0, 0)),
        out_shape=jax.ShapeDtypeStruct((NB, 1, BN), jnp.float32),
    )(h, W_fc, b_fc.reshape(1, D1), Wa, ba.reshape(1, D2),
      Wb, bb.reshape(1, D2), Wc.reshape(1, D2))


STAGE_K = 32


def _select_body(s_ref, low_ref, high_ref):
    s = s_ref[...]
    row = lax.broadcasted_iota(jnp.int32, s.shape, 0)
    col = lax.broadcasted_iota(jnp.int32, s.shape, 1)
    gid = row * 128 + col
    valid = gid < N_ROWS
    inf = jnp.float32(jnp.inf)
    lane = lax.broadcasted_iota(jnp.int32, (1, 128), 1)
    srow = lax.broadcasted_iota(jnp.int32, (STAGE_K, 128), 0)
    scol = lax.broadcasted_iota(jnp.int32, (STAGE_K, 128), 1)
    big = jnp.int32(2**30)

    def stage_min(k, carry):
        sm, vals, gids = carry
        m = jnp.min(sm, axis=0, keepdims=True)
        r = jnp.min(jnp.where(sm == m, row, big), axis=0, keepdims=True)
        return (jnp.where(row == r, inf, sm),
                jnp.where(srow == k, m, vals),
                jnp.where(srow == k, r * 128 + lane, gids))

    def stage_max(k, carry):
        sm, vals, gids = carry
        m = jnp.max(sm, axis=0, keepdims=True)
        r = jnp.max(jnp.where(sm == m, row, -1), axis=0, keepdims=True)
        return (jnp.where(row == r, -inf, sm),
                jnp.where(srow == k, m, vals),
                jnp.where(srow == k, r * 128 + lane, gids))

    zed = (jnp.zeros((STAGE_K, 128), jnp.float32),
           jnp.zeros((STAGE_K, 128), jnp.int32))
    _, lo_vals, lo_gids = lax.fori_loop(
        0, STAGE_K, stage_min, (jnp.where(valid, s, inf),) + zed)
    _, hi_vals, hi_gids = lax.fori_loop(
        0, STAGE_K, stage_max, (jnp.where(valid, s, -inf),) + zed)

    def min_step(i, carry):
        sm, vec = carry
        m = jnp.min(sm)
        idx = jnp.min(jnp.where(sm == m, lo_gids, big))
        return (jnp.where(lo_gids == idx, inf, sm),
                jnp.where(lane == i, idx, vec))

    def max_step(i, carry):
        sm, vec = carry
        m = jnp.max(sm)
        idx = jnp.max(jnp.where(sm == m, hi_gids, -1))
        return (jnp.where(hi_gids == idx, -inf, sm),
                jnp.where(lane == i, idx, vec))

    _, lowvec = lax.fori_loop(
        0, N_SEL, min_step, (lo_vals, jnp.zeros((1, 128), jnp.int32)))
    _, highvec = lax.fori_loop(
        0, N_SEL, max_step, (hi_vals, jnp.zeros((1, 128), jnp.int32)))

    low_ref[...] = lowvec
    high_ref[...] = highvec


def _select(scores_pad):
    return pl.pallas_call(
        _select_body,
        out_shape=(jax.ShapeDtypeStruct((1, 128), jnp.int32),
                   jax.ShapeDtypeStruct((1, 128), jnp.int32)),
    )(scores_pad)


@functools.lru_cache(maxsize=1)
def _sc_gather_kernel():
    info = plsc.get_sparse_core_info()
    nc, ns = info.num_cores, info.num_subcores
    nw = nc * ns
    bpw = B_G // nw

    @functools.partial(
        pl.kernel,
        mesh=plsc.VectorSubcoreMesh(core_axis_name="c", subcore_axis_name="s"),
        out_type=jax.ShapeDtypeStruct((B_G, D_IN), jnp.float32),
        scratch_types=[
            pltpu.VMEM((bpw,), jnp.int32),
            pltpu.VMEM((bpw, D_IN), jnp.float32),
            pltpu.SemaphoreType.DMA,
        ],
    )
    def gather(table_hbm, idx_hbm, out_hbm, idx_v, rows_v, sem):
        wid = lax.axis_index("s") * nc + lax.axis_index("c")
        base = wid * bpw
        pltpu.sync_copy(idx_hbm.at[pl.ds(base, bpw)], idx_v)
        pltpu.async_copy(table_hbm.at[idx_v], rows_v, sem).wait()
        pltpu.sync_copy(rows_v, out_hbm.at[pl.ds(base, bpw)])

    return gather


def _final_body(hsel_ref, wfc_ref, bfc_ref, wcls_ref, bcls_ref, out_ref):
    h1 = jnp.maximum(
        jnp.dot(hsel_ref[...], wfc_ref[...], preferred_element_type=jnp.float32)
        + bfc_ref[...], 0.0)
    ridx = lax.broadcasted_iota(jnp.int32, (B_G, D1), 0)
    wm = jnp.where(ridx < 128, wcls_ref[0:1, :], wcls_ref[1:2, :])
    sel = (ridx < N_SEL) | ((ridx >= 128) & (ridx < 128 + N_SEL))
    contrib = jnp.where(sel, h1 * wm, 0.0)
    out_ref[...] = jnp.sum(contrib, keepdims=True) / N_SEL + bcls_ref[...]


def _final(h_sel, W_fc, b_fc, Wcls, bcls):
    return pl.pallas_call(
        _final_body,
        out_shape=jax.ShapeDtypeStruct((1, 1), jnp.float32),
    )(h_sel, W_fc, b_fc.reshape(1, D1), Wcls.reshape(2, D1),
      bcls.reshape(1, 1))


def kernel(h, W_fc, b_fc, Wa, ba, Wb, bb, Wc, bc, Wcls, bcls):
    scores = _scores(h, W_fc, b_fc, Wa, ba, Wb, bb, Wc)
    scores_pad = jnp.pad(scores.reshape(-1), (0, PAD_ROWS * 128 - N_ROWS))
    low_idx, high_idx = _select(scores_pad.reshape(PAD_ROWS, 128))
    idx = jnp.concatenate([low_idx[0], high_idx[0]])
    h_sel = _sc_gather_kernel()(h, idx)
    return _final(h_sel, W_fc, b_fc, Wcls, bcls)

# --- scband reference (transcript-rebuilt; emitter-appended) ---
"""Pipeline reference for scband-clam-sb-time-nn-pool-27702539059348 (READ-ONLY COPY).

The authoritative reference and input builder live on the scoring server;
editing this copy changes nothing except your own understanding.
"""

import jax, jax.numpy as jnp
import numpy as np


def setup_inputs(seed: int = 0) -> dict:
    key = jax.random.key(seed)
    ks = jax.random.split(key, 8)
    n, L, D1, D2 = 50000, 1024, 512, 256

    def init(k, shape, fan_in):
        return (jax.random.normal(k, shape, dtype=jnp.float32) / np.sqrt(fan_in)).astype(jnp.float32)

    return {
        "h": jax.random.normal(ks[0], (n, L), dtype=jnp.float32),
        "W_fc": init(ks[1], (L, D1), L),
        "b_fc": jnp.zeros((D1,), jnp.float32),
        "Wa": init(ks[2], (D1, D2), D1),
        "ba": jnp.zeros((D2,), jnp.float32),
        "Wb": init(ks[3], (D1, D2), D1),
        "bb": jnp.zeros((D2,), jnp.float32),
        "Wc": init(ks[4], (D2, 1), D2),
        "bc": jnp.zeros((1,), jnp.float32),
        "Wcls": init(ks[5], (2 * D1, 1), 2 * D1),
        "bcls": jnp.zeros((1,), jnp.float32),
    }


def reference(h, W_fc, b_fc, Wa, ba, Wb, bb, Wc, bc, Wcls, bcls):
    N = 100
    # fc: Linear(1024->512) + ReLU; attention_net rebinds h to these features
    h1 = jax.nn.relu(h @ W_fc + b_fc)
    # gated attention: Attn_Net_Gated(L=512, D=256, n_classes=1)
    a = jnp.tanh(h1 @ Wa + ba)
    b = jax.nn.sigmoid(h1 @ Wb + bb)
    A = (a * b) @ Wc + bc          # [n, 1]
    A = jnp.transpose(A, (1, 0))   # [1, n]
    A = jax.nn.softmax(A, axis=1)
    # n = 50000 > 2*N = 200 -> argsort top/bottom-N pooling branch
    idxs = jnp.argsort(A[0])
    low_n_idxs = idxs[:N]
    high_n_idxs = idxs[-N:]
    low_n = jnp.mean(h1[low_n_idxs], axis=0)    # [512]
    high_n = jnp.mean(h1[high_n_idxs], axis=0)  # [512]
    M = jnp.concatenate([low_n, high_n])[None, :]  # [1, 1024]
    logits = M @ Wcls + bcls                       # [1, 1]
    return logits

if __name__ == "__main__":
    import jax
    _d = setup_inputs()
    print(jax.jit(kernel)(*tuple(_d.values())))

</pallas_src>

<mosaic_0001>
#map = affine_map<(d0, d1) -> (0, 0)>
#map1 = affine_map<(d0, d1) -> (0)>
module attributes {stable_mosaic.version = 14 : i64} {
  func.func @gather(%arg0: i32, %arg1: i32, %arg2: memref<50000x1024xf32, #tpu.memory_space<hbm>>, %arg3: memref<256xi32, #tpu.memory_space<hbm>>, %arg4: memref<256x1024xf32, #tpu.memory_space<hbm>>, %arg5: memref<8xi32, #tpu.memory_space<vmem>>, %arg6: memref<8x1024xf32, #tpu.memory_space<vmem>>, %arg7: memref<!tpu.dma_semaphore, #tpu.memory_space<semaphore_mem>>) attributes {dimension_semantics = [#tpu.dimension_semantics<core_parallel>, #tpu.dimension_semantics<subcore_parallel>], iteration_bounds = array<i64: 2, 16>, scalar_prefetch = 0 : i64, scratch_operands = 3 : i64, tpu.core_type = #tpu.core_type<sc_vector_subcore>, window_params = [{transform_indices = #map}, {transform_indices = #map1}, {transform_indices = #map}]} {
    %mul3A = arith.constant 2 : i32
    %mul3A_0 = arith.muli %arg1, %mul3A : i32
    %add3A = arith.addi %mul3A_0, %arg0 : i32
    %mul3A_1 = arith.constant 8 : i32
    %mul3A_2 = arith.muli %add3A, %mul3A_1 : i32
    "tpu.region"() ({
      %run_scoped3A = tpu.sem_alloc : memref<!tpu.dma_semaphore, #tpu.memory_space<semaphore_mem>>
      %dma_start3A_7 = tpu.memref_slice %arg3[%mul3A_2] : memref<256xi32, #tpu.memory_space<hbm>> -> memref<8xi32, #tpu.memory_space<hbm>>
      %dma_start3A_8 = tpu.memref_slice %arg3[%mul3A_2] : memref<256xi32, #tpu.memory_space<hbm>> -> memref<8xi32, #tpu.memory_space<hbm>>
      tpu.enqueue_dma source(%dma_start3A_8 : memref<8xi32, #tpu.memory_space<hbm>>) target(%arg5 : memref<8xi32, #tpu.memory_space<vmem>>) target_semaphore(%run_scoped3A : memref<!tpu.dma_semaphore, #tpu.memory_space<semaphore_mem>>)
      %dma_wait3A_9 = tpu.memref_slice %arg3[%mul3A_2] : memref<256xi32, #tpu.memory_space<hbm>> -> memref<8xi32, #tpu.memory_space<hbm>>
      %dma_wait3A_10 = tpu.memref_slice %arg3[%mul3A_2] : memref<256xi32, #tpu.memory_space<hbm>> -> memref<8xi32, #tpu.memory_space<hbm>>
      tpu.wait_dma2 semaphore(%run_scoped3A : memref<!tpu.dma_semaphore, #tpu.memory_space<semaphore_mem>>) src(%dma_wait3A_10 : memref<8xi32, #tpu.memory_space<hbm>>) dst(%arg5 : memref<8xi32, #tpu.memory_space<vmem>>)
      tpu.yield
    }) : () -> ()
    %dma_start3A = arith.constant 0 : i32
    %dma_start3A_3 = arith.constant 0 : i32
    %dma_start3A_4 = tpu.memref_slice %arg2[%dma_start3A, %dma_start3A_3] : memref<50000x1024xf32, #tpu.memory_space<hbm>> -> memref<50000x1024xf32, #tpu.memory_space<hbm>>
    tpu.enqueue_indirect_dma source(%dma_start3A_4 : memref<50000x1024xf32, #tpu.memory_space<hbm>>) target(%arg6 : memref<8x1024xf32, #tpu.memory_space<vmem>>) offsets(%arg5 : memref<8xi32, #tpu.memory_space<vmem>>) semaphore(%arg7 : memref<!tpu.dma_semaphore, #tpu.memory_space<semaphore_mem>>)
    %dma_wait3A = arith.constant 0 : i32
    %dma_wait3A_5 = arith.constant 0 : i32
    %dma_wait3A_6 = tpu.memref_slice %arg2[%dma_wait3A, %dma_wait3A_5] : memref<50000x1024xf32, #tpu.memory_space<hbm>> -> memref<50000x1024xf32, #tpu.memory_space<hbm>>
    tpu.wait_indirect_dma semaphore(%arg7 : memref<!tpu.dma_semaphore, #tpu.memory_space<semaphore_mem>>) src(%dma_wait3A_6 : memref<50000x1024xf32, #tpu.memory_space<hbm>>) dst(%arg6 : memref<8x1024xf32, #tpu.memory_space<vmem>>)
    "tpu.region"() ({
      %run_scoped3A = tpu.sem_alloc : memref<!tpu.dma_semaphore, #tpu.memory_space<semaphore_mem>>
      %dma_start3A_7 = arith.constant 0 : i32
      %dma_start3A_8 = tpu.memref_slice %arg4[%mul3A_2, %dma_start3A_7] : memref<256x1024xf32, #tpu.memory_space<hbm>> -> memref<8x1024xf32, #tpu.memory_space<hbm>>
      %dma_start3A_9 = arith.constant 0 : i32
      %dma_start3A_10 = tpu.memref_slice %arg4[%mul3A_2, %dma_start3A_9] : memref<256x1024xf32, #tpu.memory_space<hbm>> -> memref<8x1024xf32, #tpu.memory_space<hbm>>
      tpu.enqueue_dma source(%arg6 : memref<8x1024xf32, #tpu.memory_space<vmem>>) target(%dma_start3A_10 : memref<8x1024xf32, #tpu.memory_space<hbm>>) target_semaphore(%run_scoped3A : memref<!tpu.dma_semaphore, #tpu.memory_space<semaphore_mem>>)
      %dma_wait3A_11 = arith.constant 0 : i32
      %dma_wait3A_12 = tpu.memref_slice %arg4[%mul3A_2, %dma_wait3A_11] : memref<256x1024xf32, #tpu.memory_space<hbm>> -> memref<8x1024xf32, #tpu.memory_space<hbm>>
      %dma_wait3A_13 = arith.constant 0 : i32
      %dma_wait3A_14 = tpu.memref_slice %arg4[%mul3A_2, %dma_wait3A_13] : memref<256x1024xf32, #tpu.memory_space<hbm>> -> memref<8x1024xf32, #tpu.memory_space<hbm>>
      tpu.wait_dma2 semaphore(%run_scoped3A : memref<!tpu.dma_semaphore, #tpu.memory_space<semaphore_mem>>) src(%arg6 : memref<8x1024xf32, #tpu.memory_space<vmem>>) dst(%dma_wait3A_14 : memref<8x1024xf32, #tpu.memory_space<hbm>>)
      tpu.yield
    }) : () -> ()
    return
  }
}

module attributes {stable_mosaic.version = 14 : i64} {
  func.func @_score_body(%arg0: i32, %arg1: memref<1000x1024xf32, #tpu.memory_space<vmem>>, %arg2: memref<1024x512xf32, #tpu.memory_space<vmem>>, %arg3: memref<1x512xf32, #tpu.memory_space<vmem>>, %arg4: memref<512x256xf32, #tpu.memory_space<vmem>>, %arg5: memref<1x256xf32, #tpu.memory_space<vmem>>, %arg6: memref<512x256xf32, #tpu.memory_space<vmem>>, %arg7: memref<1x256xf32, #tpu.memory_space<vmem>>, %arg8: memref<1x256xf32, #tpu.memory_space<vmem>>, %arg9: memref<1x1x1000xf32, #tpu.memory_space<vmem>>) attributes {dimension_semantics = [#tpu.dimension_semantics<arbitrary>], iteration_bounds = array<i64: 50>, scalar_prefetch = 0 : i64, scratch_operands = 0 : i64, tpu.core_type = #tpu.core_type<tc>, window_params = [{transform_indices = @transform_0, window_bounds = array<i64: 1000, 1024>}, {pipeline_mode = #tpu.pipeline_mode<synchronous>, transform_indices = @transform_1, window_bounds = array<i64: 1024, 512>}, {pipeline_mode = #tpu.pipeline_mode<synchronous>, transform_indices = @transform_2, window_bounds = array<i64: 1, 512>}, {pipeline_mode = #tpu.pipeline_mode<synchronous>, transform_indices = @transform_3, window_bounds = array<i64: 512, 256>}, {pipeline_mode = #tpu.pipeline_mode<synchronous>, transform_indices = @transform_4, window_bounds = array<i64: 1, 256>}, {pipeline_mode = #tpu.pipeline_mode<synchronous>, transform_indices = @transform_5, window_bounds = array<i64: 512, 256>}, {pipeline_mode = #tpu.pipeline_mode<synchronous>, transform_indices = @transform_6, window_bounds = array<i64: 1, 256>}, {pipeline_mode = #tpu.pipeline_mode<synchronous>, transform_indices = @transform_7, window_bounds = array<i64: 1, 256>}, {transform_indices = @transform_8, window_bounds = array<i64: 1, 1, 1000>}]} {
    %get3A = arith.constant 0 : index
    %get3A_0 = arith.constant 0 : index
    %get3A_1 = vector.load %arg1[%get3A, %get3A_0] : memref<1000x1024xf32, #tpu.memory_space<vmem>>, vector<1000x1024xf32>
    %get3A_2 = arith.constant 0 : index
    %get3A_3 = arith.constant 0 : index
    %get3A_4 = vector.load %arg2[%get3A_2, %get3A_3] : memref<1024x512xf32, #tpu.memory_space<vmem>>, vector<1024x512xf32>
    %dot_general3A = arith.constant dense<0.000000e+00> : vector<1000x512xf32>
    %dot_general3A_5 = tpu.matmul %get3A_1, %get3A_4, %dot_general3A {dimension_numbers = #tpu.dot_dimension_numbers<[1], [0], [0], [1], [0, 0, 1, 1], [], []>, transpose_lhs_hint = false} : vector<1000x1024xf32>, vector<1024x512xf32>, vector<1000x512xf32> -> vector<1000x512xf32>
    %get3A_6 = arith.constant 0 : index
    %get3A_7 = arith.constant 0 : index
    %get3A_8 = vector.load %arg3[%get3A_6, %get3A_7] : memref<1x512xf32, #tpu.memory_space<vmem>>, vector<1x512xf32>
    %add3A = vector.broadcast %get3A_8 : vector<1x512xf32> to vector<1000x512xf32>
    %add3A_9 = arith.addf %dot_general3A_5, %add3A : vector<1000x512xf32>
    %max3A = arith.constant 0.000000e+00 : f32
    %max3A_10 = vector.broadcast %max3A : f32 to vector<1000x512xf32>
    %max3A_11 = arith.maximumf %add3A_9, %max3A_10 : vector<1000x512xf32>
    %get3A_12 = arith.constant 0 : index
    %get3A_13 = arith.constant 0 : index
    %get3A_14 = vector.load %arg4[%get3A_12, %get3A_13] : memref<512x256xf32, #tpu.memory_space<vmem>>, vector<512x256xf32>
    %dot_general3A_15 = arith.constant dense<0.000000e+00> : vector<1000x256xf32>
    %dot_general3A_16 = tpu.matmul %max3A_11, %get3A_14, %dot_general3A_15 {dimension_numbers = #tpu.dot_dimension_numbers<[1], [0], [0], [1], [0, 0, 1, 1], [], []>, transpose_lhs_hint = false} : vector<1000x512xf32>, vector<512x256xf32>, vector<1000x256xf32> -> vector<1000x256xf32>
    %get3A_17 = arith.constant 0 : index
    %get3A_18 = arith.constant 0 : index
    %get3A_19 = vector.load %arg5[%get3A_17, %get3A_18] : memref<1x256xf32, #tpu.memory_space<vmem>>, vector<1x256xf32>
    %add3A_20 = vector.broadcast %get3A_19 : vector<1x256xf32> to vector<1000x256xf32>
    %add3A_21 = arith.addf %dot_general3A_16, %add3A_20 : vector<1000x256xf32>
    %tanh3A = math.tanh %add3A_21 : vector<1000x256xf32>
    %get3A_22 = arith.constant 0 : index
    %get3A_23 = arith.constant 0 : index
    %get3A_24 = vector.load %arg6[%get3A_22, %get3A_23] : memref<512x256xf32, #tpu.memory_space<vmem>>, vector<512x256xf32>
    %dot_general3A_25 = arith.constant dense<0.000000e+00> : vector<1000x256xf32>
    %dot_general3A_26 = tpu.matmul %max3A_11, %get3A_24, %dot_general3A_25 {dimension_numbers = #tpu.dot_dimension_numbers<[1], [0], [0], [1], [0, 0, 1, 1], [], []>, transpose_lhs_hint = false} : vector<1000x512xf32>, vector<512x256xf32>, vector<1000x256xf32> -> vector<1000x256xf32>
    %get3A_27 = arith.constant 0 : index
    %get3A_28 = arith.constant 0 : index
    %get3A_29 = vector.load %arg7[%get3A_27, %get3A_28] : memref<1x256xf32, #tpu.memory_space<vmem>>, vector<1x256xf32>
    %add3A_30 = vector.broadcast %get3A_29 : vector<1x256xf32> to vector<1000x256xf32>
    %add3A_31 = arith.addf %dot_general3A_26, %add3A_30 : vector<1000x256xf32>
    %logistic3A = arith.negf %add3A_31 : vector<1000x256xf32>
    %logistic3A_32 = math.exp %logistic3A : vector<1000x256xf32>
    %logistic3A_33 = arith.constant 1.000000e+00 : f32
    %logistic3A_34 = vector.broadcast %logistic3A_33 : f32 to vector<1000x256xf32>
    %logistic3A_35 = arith.addf %logistic3A_34, %logistic3A_32 : vector<1000x256xf32>
    %logistic3A_36 = arith.divf %logistic3A_34, %logistic3A_35 : vector<1000x256xf32>
    %mul3A = arith.mulf %tanh3A, %logistic3A_36 : vector<1000x256xf32>
    %get3A_37 = arith.constant 0 : index
    %get3A_38 = arith.constant 0 : index
    %get3A_39 = vector.load %arg8[%get3A_37, %get3A_38] : memref<1x256xf32, #tpu.memory_space<vmem>>, vector<1x256xf32>
    %mul3A_40 = vector.broadcast %get3A_39 : vector<1x256xf32> to vector<1000x256xf32>
    %mul3A_41 = arith.mulf %mul3A, %mul3A_40 : vector<1000x256xf32>
    %reduce_sum3A = arith.constant dense<0.000000e+00> : vector<1000xf32>
    %reduce_sum3A_42 = vector.multi_reduction <add>, %mul3A_41, %reduce_sum3A [1] : vector<1000x256xf32> to vector<1000xf32>
    %broadcast_in_dim3A = vector.shape_cast %reduce_sum3A_42 : vector<1000xf32> to vector<1x1x1000xf32>
    %swap3A = arith.constant 0 : index
    %swap3A_43 = arith.constant 0 : index
    %swap3A_44 = arith.constant 0 : index
    %swap3A_45 = vector.load %arg9[%swap3A, %swap3A_43, %swap3A_44] : memref<1x1x1000xf32, #tpu.memory_space<vmem>>, vector<1x1x1000xf32>
    tpu.vector_store %arg9[%swap3A, %swap3A_43, %swap3A_44], %broadcast_in_dim3A {strides = array<i32>} : memref<1x1x1000xf32, #tpu.memory_space<vmem>>, vector<1x1x1000xf32>,
    return
  }
  func.func @transform_0(%arg0: i32) -> (i32, i32) {
    %c0_i32 = arith.constant 0 : i32
    %c0_i32_0 = arith.constant 0 : i32
    return %arg0, %c0_i32 : i32, i32
  }
  func.func @transform_1(%arg0: i32) -> (i32, i32) {
    %c0_i32 = arith.constant 0 : i32
    %c0_i32_0 = arith.constant 0 : i32
    %c0_i32_1 = arith.constant 0 : i32
    return %c0_i32, %c0_i32_0 : i32, i32
  }
  func.func @transform_2(%arg0: i32) -> (i32, i32) {
    %c0_i32 = arith.constant 0 : i32
    %c0_i32_0 = arith.constant 0 : i32
    %c0_i32_1 = arith.constant 0 : i32
    return %c0_i32, %c0_i32_0 : i32, i32
  }
  func.func @transform_3(%arg0: i32) -> (i32, i32) {
    %c0_i32 = arith.constant 0 : i32
    %c0_i32_0 = arith.constant 0 : i32
    %c0_i32_1 = arith.constant 0 : i32
    return %c0_i32, %c0_i32_0 : i32, i32
  }
  func.func @transform_4(%arg0: i32) -> (i32, i32) {
    %c0_i32 = arith.constant 0 : i32
    %c0_i32_0 = arith.constant 0 : i32
    %c0_i32_1 = arith.constant 0 : i32
    return %c0_i32, %c0_i32_0 : i32, i32
  }
  func.func @transform_5(%arg0: i32) -> (i32, i32) {
    %c0_i32 = arith.constant 0 : i32
    %c0_i32_0 = arith.constant 0 : i32
    %c0_i32_1 = arith.constant 0 : i32
    return %c0_i32, %c0_i32_0 : i32, i32
  }
  func.func @transform_6(%arg0: i32) -> (i32, i32) {
    %c0_i32 = arith.constant 0 : i32
    %c0_i32_0 = arith.constant 0 : i32
    %c0_i32_1 = arith.constant 0 : i32
    return %c0_i32, %c0_i32_0 : i32, i32
  }
  func.func @transform_7(%arg0: i32) -> (i32, i32) {
    %c0_i32 = arith.constant 0 : i32
    %c0_i32_0 = arith.constant 0 : i32
    %c0_i32_1 = arith.constant 0 : i32
    return %c0_i32, %c0_i32_0 : i32, i32
  }
  func.func @transform_8(%arg0: i32) -> (i32, i32, i32) {
    %c0_i32 = arith.constant 0 : i32
    %c0_i32_0 = arith.constant 0 : i32
    %c0_i32_1 = arith.constant 0 : i32
    return %arg0, %c0_i32, %c0_i32_0 : i32, i32, i32
  }
}

module attributes {stable_mosaic.version = 14 : i64} {
  func.func @_select_body(%arg0: memref<392x128xf32, #tpu.memory_space<vmem>>, %arg1: memref<1x128xi32, #tpu.memory_space<vmem>>, %arg2: memref<1x128xi32, #tpu.memory_space<vmem>>) attributes {dimension_semantics = [], scalar_prefetch = 0 : i64, scratch_operands = 0 : i64, tpu.core_type = #tpu.core_type<tc>} {
    %get3A = arith.constant 0 : index
    %get3A_0 = arith.constant 0 : index
    %get3A_1 = vector.load %arg0[%get3A, %get3A_0] : memref<392x128xf32, #tpu.memory_space<vmem>>, vector<392x128xf32>
    %iota3A = tpu.iota {dimensions = array<i32: 0>} : vector<392x128xi32>
    %iota3A_2 = tpu.iota {dimensions = array<i32: 1>} : vector<392x128xi32>
    %mul3A = arith.constant 128 : i32
    %mul3A_3 = vector.broadcast %mul3A : i32 to vector<392x128xi32>
    %mul3A_4 = arith.muli %iota3A, %mul3A_3 : vector<392x128xi32>
    %add3A = arith.addi %mul3A_4, %iota3A_2 : vector<392x128xi32>
    %lt3A = arith.constant 50000 : i32
    %lt3A_5 = vector.broadcast %lt3A : i32 to vector<392x128xi32>
    %lt3A_6 = arith.cmpi slt, %add3A, %lt3A_5 : vector<392x128xi32>
    %iota3A_7 = tpu.iota {dimensions = array<i32: 1>} : vector<1x128xi32>
    %iota3A_8 = tpu.iota {dimensions = array<i32: 0>} : vector<32x128xi32>
    %broadcast_in_dim3A = arith.constant 0.000000e+00 : f32
    %broadcast_in_dim3A_9 = vector.broadcast %broadcast_in_dim3A : f32 to vector<32x128xf32>
    %broadcast_in_dim3A_10 = arith.constant 0 : i32
    %broadcast_in_dim3A_11 = vector.broadcast %broadcast_in_dim3A_10 : i32 to vector<32x128xi32>
    %jit3A = arith.constant 0x7F800000 : f32
    %broadcast_in_dim3A_12 = vector.broadcast %jit3A : f32 to vector<392x128xf32>
    %select_n3A = arith.select %lt3A_6, %get3A_1, %broadcast_in_dim3A_12 : vector<392x128xi1>, vector<392x128xf32>
    %scan3A = arith.constant 1073741824 : i32
    %scan3A_13 = arith.constant 0x7F800000 : f32
    %scan3A_14 = arith.constant 0 : i32
    %scan3A_15 = arith.constant 32 : i32
    %scan3A_16 = arith.addi %scan3A_14, %scan3A_15 : i32
    %scan3A_17 = arith.constant 1 : i32
    %scan3A_18:3 = scf.for %scan3A_55 = %scan3A_14 to %scan3A_16 step %scan3A_17 iter_args(%scan3A_56 = %select_n3A, %scan3A_57 = %broadcast_in_dim3A_9, %scan3A_58 = %broadcast_in_dim3A_11) -> (vector<392x128xf32>, vector<32x128xf32>, vector<32x128xi32>)  : i32 {
      %reduce_min3A = arith.constant dense<0x7F800000> : vector<128xf32>
      %reduce_min3A_59 = vector.multi_reduction <minimumf>, %scan3A_56, %reduce_min3A [0] : vector<392x128xf32> to vector<128xf32>
      %broadcast_in_dim3A_60 = vector.shape_cast %reduce_min3A_59 : vector<128xf32> to vector<1x128xf32>
      %eq3A = vector.broadcast %broadcast_in_dim3A_60 : vector<1x128xf32> to vector<392x128xf32>
      %eq3A_61 = arith.cmpf oeq, %scan3A_56, %eq3A : vector<392x128xf32>
      %broadcast_in_dim3A_62 = vector.broadcast %scan3A : i32 to vector<392x128xi32>
      %select_n3A_63 = arith.select %eq3A_61, %iota3A, %broadcast_in_dim3A_62 : vector<392x128xi1>, vector<392x128xi32>
      %reduce_min3A_64 = arith.constant dense<2147483647> : vector<128xi32>
      %reduce_min3A_65 = vector.multi_reduction <minsi>, %select_n3A_63, %reduce_min3A_64 [0] : vector<392x128xi32> to vector<128xi32>
      %broadcast_in_dim3A_66 = vector.shape_cast %reduce_min3A_65 : vector<128xi32> to vector<1x128xi32>
      %eq3A_67 = vector.broadcast %broadcast_in_dim3A_66 : vector<1x128xi32> to vector<392x128xi32>
      %eq3A_68 = arith.cmpi eq, %iota3A, %eq3A_67 : vector<392x128xi32>
      %broadcast_in_dim3A_69 = vector.broadcast %scan3A_13 : f32 to vector<392x128xf32>
      %select_n3A_70 = arith.select %eq3A_68, %broadcast_in_dim3A_69, %scan3A_56 : vector<392x128xi1>, vector<392x128xf32>
      %eq3A_71 = vector.broadcast %scan3A_55 : i32 to vector<32x128xi32>
      %eq3A_72 = arith.cmpi eq, %iota3A_8, %eq3A_71 : vector<32x128xi32>
      %broadcast_in_dim3A_73 = vector.shape_cast %broadcast_in_dim3A_60 : vector<1x128xf32> to vector<1x128xf32>
      %broadcast_in_dim3A_74 = vector.broadcast %broadcast_in_dim3A_73 : vector<1x128xf32> to vector<32x128xf32>
      %select_n3A_75 = arith.select %eq3A_72, %broadcast_in_dim3A_74, %scan3A_57 : vector<32x128xi1>, vector<32x128xf32>
      %eq3A_76 = vector.broadcast %scan3A_55 : i32 to vector<32x128xi32>
      %eq3A_77 = arith.cmpi eq, %iota3A_8, %eq3A_76 : vector<32x128xi32>
      %mul3A_78 = arith.constant 128 : i32
      %mul3A_79 = vector.broadcast %mul3A_78 : i32 to vector<1x128xi32>
      %mul3A_80 = arith.muli %broadcast_in_dim3A_66, %mul3A_79 : vector<1x128xi32>
      %add3A_81 = arith.addi %mul3A_80, %iota3A_7 : vector<1x128xi32>
      %broadcast_in_dim3A_82 = vector.shape_cast %add3A_81 : vector<1x128xi32> to vector<1x128xi32>
      %broadcast_in_dim3A_83 = vector.broadcast %broadcast_in_dim3A_82 : vector<1x128xi32> to vector<32x128xi32>
      %select_n3A_84 = arith.select %eq3A_77, %broadcast_in_dim3A_83, %scan3A_58 : vector<32x128xi1>, vector<32x128xi32>
      scf.yield %select_n3A_70, %select_n3A_75, %select_n3A_84 : vector<392x128xf32>, vector<32x128xf32>, vector<32x128xi32>
    }
    %scan3A_19 = arith.constant 32 : i32
    %neg3A = arith.constant 0.000000e+00 : f32
    %neg3A_20 = arith.constant 0x7F800000 : f32
    %neg3A_21 = arith.subf %neg3A, %neg3A_20 : f32
    %broadcast_in_dim3A_22 = vector.broadcast %neg3A_21 : f32 to vector<392x128xf32>
    %select_n3A_23 = arith.select %lt3A_6, %get3A_1, %broadcast_in_dim3A_22 : vector<392x128xi1>, vector<392x128xf32>
    %scan3A_24 = arith.constant 0x7F800000 : f32
    %scan3A_25 = arith.constant 0 : i32
    %scan3A_26 = arith.constant 32 : i32
    %scan3A_27 = arith.addi %scan3A_25, %scan3A_26 : i32
    %scan3A_28 = arith.constant 1 : i32
    %scan3A_29:3 = scf.for %scan3A_55 = %scan3A_25 to %scan3A_27 step %scan3A_28 iter_args(%scan3A_56 = %select_n3A_23, %scan3A_57 = %broadcast_in_dim3A_9, %scan3A_58 = %broadcast_in_dim3A_11) -> (vector<392x128xf32>, vector<32x128xf32>, vector<32x128xi32>)  : i32 {
      %reduce_max3A = arith.constant dense<0xFF800000> : vector<128xf32>
      %reduce_max3A_59 = vector.multi_reduction <maximumf>, %scan3A_56, %reduce_max3A [0] : vector<392x128xf32> to vector<128xf32>
      %broadcast_in_dim3A_60 = vector.shape_cast %reduce_max3A_59 : vector<128xf32> to vector<1x128xf32>
      %eq3A = vector.broadcast %broadcast_in_dim3A_60 : vector<1x128xf32> to vector<392x128xf32>
      %eq3A_61 = arith.cmpf oeq, %scan3A_56, %eq3A : vector<392x128xf32>
      %jit3A_62 = arith.constant -1 : i32
      %broadcast_in_dim3A_63 = vector.broadcast %jit3A_62 : i32 to vector<392x128xi32>
      %select_n3A_64 = arith.select %eq3A_61, %iota3A, %broadcast_in_dim3A_63 : vector<392x128xi1>, vector<392x128xi32>
      %reduce_max3A_65 = arith.constant dense<-2147483648> : vector<128xi32>
      %reduce_max3A_66 = vector.multi_reduction <maxsi>, %select_n3A_64, %reduce_max3A_65 [0] : vector<392x128xi32> to vector<128xi32>
      %broadcast_in_dim3A_67 = vector.shape_cast %reduce_max3A_66 : vector<128xi32> to vector<1x128xi32>
      %eq3A_68 = vector.broadcast %broadcast_in_dim3A_67 : vector<1x128xi32> to vector<392x128xi32>
      %eq3A_69 = arith.cmpi eq, %iota3A, %eq3A_68 : vector<392x128xi32>
      %neg3A_70 = arith.constant 0.000000e+00 : f32
      %neg3A_71 = arith.subf %neg3A_70, %scan3A_24 : f32
      %broadcast_in_dim3A_72 = vector.broadcast %neg3A_71 : f32 to vector<392x128xf32>
      %select_n3A_73 = arith.select %eq3A_69, %broadcast_in_dim3A_72, %scan3A_56 : vector<392x128xi1>, vector<392x128xf32>
      %eq3A_74 = vector.broadcast %scan3A_55 : i32 to vector<32x128xi32>
      %eq3A_75 = arith.cmpi eq, %iota3A_8, %eq3A_74 : vector<32x128xi32>
      %broadcast_in_dim3A_76 = vector.shape_cast %broadcast_in_dim3A_60 : vector<1x128xf32> to vector<1x128xf32>
      %broadcast_in_dim3A_77 = vector.broadcast %broadcast_in_dim3A_76 : vector<1x128xf32> to vector<32x128xf32>
      %select_n3A_78 = arith.select %eq3A_75, %broadcast_in_dim3A_77, %scan3A_57 : vector<32x128xi1>, vector<32x128xf32>
      %eq3A_79 = vector.broadcast %scan3A_55 : i32 to vector<32x128xi32>
      %eq3A_80 = arith.cmpi eq, %iota3A_8, %eq3A_79 : vector<32x128xi32>
      %mul3A_81 = arith.constant 128 : i32
      %mul3A_82 = vector.broadcast %mul3A_81 : i32 to vector<1x128xi32>
      %mul3A_83 = arith.muli %broadcast_in_dim3A_67, %mul3A_82 : vector<1x128xi32>
      %add3A_84 = arith.addi %mul3A_83, %iota3A_7 : vector<1x128xi32>
      %broadcast_in_dim3A_85 = vector.shape_cast %add3A_84 : vector<1x128xi32> to vector<1x128xi32>
      %broadcast_in_dim3A_86 = vector.broadcast %broadcast_in_dim3A_85 : vector<1x128xi32> to vector<32x128xi32>
      %select_n3A_87 = arith.select %eq3A_80, %broadcast_in_dim3A_86, %scan3A_58 : vector<32x128xi1>, vector<32x128xi32>
      scf.yield %select_n3A_73, %select_n3A_78, %select_n3A_87 : vector<392x128xf32>, vector<32x128xf32>, vector<32x128xi32>
    }
    %scan3A_30 = arith.constant 32 : i32
    %broadcast_in_dim3A_31 = arith.constant 0 : i32
    %broadcast_in_dim3A_32 = vector.broadcast %broadcast_in_dim3A_31 : i32 to vector<1x128xi32>
    %scan3A_33 = arith.constant 1073741824 : i32
    %scan3A_34 = arith.constant 0x7F800000 : f32
    %scan3A_35 = arith.constant 0 : i32
    %scan3A_36 = arith.constant 100 : i32
    %scan3A_37 = arith.addi %scan3A_35, %scan3A_36 : i32
    %scan3A_38 = arith.constant 1 : i32
    %scan3A_39:2 = scf.for %scan3A_55 = %scan3A_35 to %scan3A_37 step %scan3A_38 iter_args(%scan3A_56 = %scan3A_18#1, %scan3A_57 = %broadcast_in_dim3A_32) -> (vector<32x128xf32>, vector<1x128xi32>)  : i32 {
      %reduce_min3A = vector.shape_cast %scan3A_56 : vector<32x128xf32> to vector<1x32x128xf32>
      %reduce_min3A_58 = arith.constant dense<0x7F800000> : vector<1xf32>
      %reduce_min3A_59 = vector.multi_reduction <minimumf>, %reduce_min3A, %reduce_min3A_58 [1, 2] : vector<1x32x128xf32> to vector<1xf32>
      %reduce_min3A_60 = vector.shape_cast %reduce_min3A_59 : vector<1xf32> to vector<1x1x1xf32>
      %reduce_min3A_61 = vector.extract %reduce_min3A_60[0, 0, 0] : f32 from vector<1x1x1xf32>
      %eq3A = vector.broadcast %reduce_min3A_61 : f32 to vector<32x128xf32>
      %eq3A_62 = arith.cmpf oeq, %scan3A_56, %eq3A : vector<32x128xf32>
      %broadcast_in_dim3A_63 = vector.broadcast %scan3A_33 : i32 to vector<32x128xi32>
      %select_n3A_64 = arith.select %eq3A_62, %scan3A_18#2, %broadcast_in_dim3A_63 : vector<32x128xi1>, vector<32x128xi32>
      %reduce_min3A_65 = vector.shape_cast %select_n3A_64 : vector<32x128xi32> to vector<1x32x128xi32>
      %reduce_min3A_66 = arith.constant dense<2147483647> : vector<1xi32>
      %reduce_min3A_67 = vector.multi_reduction <minsi>, %reduce_min3A_65, %reduce_min3A_66 [1, 2] : vector<1x32x128xi32> to vector<1xi32>
      %reduce_min3A_68 = vector.shape_cast %reduce_min3A_67 : vector<1xi32> to vector<1x1x1xi32>
      %reduce_min3A_69 = vector.extract %reduce_min3A_68[0, 0, 0] : i32 from vector<1x1x1xi32>
      %eq3A_70 = vector.broadcast %reduce_min3A_69 : i32 to vector<32x128xi32>
      %eq3A_71 = arith.cmpi eq, %scan3A_18#2, %eq3A_70 : vector<32x128xi32>
      %broadcast_in_dim3A_72 = vector.broadcast %scan3A_34 : f32 to vector<32x128xf32>
      %select_n3A_73 = arith.select %eq3A_71, %broadcast_in_dim3A_72, %scan3A_56 : vector<32x128xi1>, vector<32x128xf32>
      %eq3A_74 = vector.broadcast %scan3A_55 : i32 to vector<1x128xi32>
      %eq3A_75 = arith.cmpi eq, %iota3A_7, %eq3A_74 : vector<1x128xi32>
      %broadcast_in_dim3A_76 = vector.broadcast %reduce_min3A_69 : i32 to vector<1x128xi32>
      %select_n3A_77 = arith.select %eq3A_75, %broadcast_in_dim3A_76, %scan3A_57 : vector<1x128xi1>, vector<1x128xi32>
      scf.yield %select_n3A_73, %select_n3A_77 : vector<32x128xf32>, vector<1x128xi32>
    }
    %scan3A_40 = arith.constant 100 : i32
    %broadcast_in_dim3A_41 = arith.constant 0 : i32
    %broadcast_in_dim3A_42 = vector.broadcast %broadcast_in_dim3A_41 : i32 to vector<1x128xi32>
    %scan3A_43 = arith.constant 0x7F800000 : f32
    %scan3A_44 = arith.constant 0 : i32
    %scan3A_45 = arith.constant 100 : i32
    %scan3A_46 = arith.addi %scan3A_44, %scan3A_45 : i32
    %scan3A_47 = arith.constant 1 : i32
    %scan3A_48:2 = scf.for %scan3A_55 = %scan3A_44 to %scan3A_46 step %scan3A_47 iter_args(%scan3A_56 = %scan3A_29#1, %scan3A_57 = %broadcast_in_dim3A_42) -> (vector<32x128xf32>, vector<1x128xi32>)  : i32 {
      %reduce_max3A = vector.shape_cast %scan3A_56 : vector<32x128xf32> to vector<1x32x128xf32>
      %reduce_max3A_58 = arith.constant dense<0xFF800000> : vector<1xf32>
      %reduce_max3A_59 = vector.multi_reduction <maximumf>, %reduce_max3A, %reduce_max3A_58 [1, 2] : vector<1x32x128xf32> to vector<1xf32>
      %reduce_max3A_60 = vector.shape_cast %reduce_max3A_59 : vector<1xf32> to vector<1x1x1xf32>
      %reduce_max3A_61 = vector.extract %reduce_max3A_60[0, 0, 0] : f32 from vector<1x1x1xf32>
      %eq3A = vector.broadcast %reduce_max3A_61 : f32 to vector<32x128xf32>
      %eq3A_62 = arith.cmpf oeq, %scan3A_56, %eq3A : vector<32x128xf32>
      %jit3A_63 = arith.constant -1 : i32
      %broadcast_in_dim3A_64 = vector.broadcast %jit3A_63 : i32 to vector<32x128xi32>
      %select_n3A_65 = arith.select %eq3A_62, %scan3A_29#2, %broadcast_in_dim3A_64 : vector<32x128xi1>, vector<32x128xi32>
      %reduce_max3A_66 = vector.shape_cast %select_n3A_65 : vector<32x128xi32> to vector<1x32x128xi32>
      %reduce_max3A_67 = arith.constant dense<-2147483648> : vector<1xi32>
      %reduce_max3A_68 = vector.multi_reduction <maxsi>, %reduce_max3A_66, %reduce_max3A_67 [1, 2] : vector<1x32x128xi32> to vector<1xi32>
      %reduce_max3A_69 = vector.shape_cast %reduce_max3A_68 : vector<1xi32> to vector<1x1x1xi32>
      %reduce_max3A_70 = vector.extract %reduce_max3A_69[0, 0, 0] : i32 from vector<1x1x1xi32>
      %eq3A_71 = vector.broadcast %reduce_max3A_70 : i32 to vector<32x128xi32>
      %eq3A_72 = arith.cmpi eq, %scan3A_29#2, %eq3A_71 : vector<32x128xi32>
      %neg3A_73 = arith.constant 0.000000e+00 : f32
      %neg3A_74 = arith.subf %neg3A_73, %scan3A_43 : f32
      %broadcast_in_dim3A_75 = vector.broadcast %neg3A_74 : f32 to vector<32x128xf32>
      %select_n3A_76 = arith.select %eq3A_72, %broadcast_in_dim3A_75, %scan3A_56 : vector<32x128xi1>, vector<32x128xf32>
      %eq3A_77 = vector.broadcast %scan3A_55 : i32 to vector<1x128xi32>
      %eq3A_78 = arith.cmpi eq, %iota3A_7, %eq3A_77 : vector<1x128xi32>
      %broadcast_in_dim3A_79 = vector.broadcast %reduce_max3A_70 : i32 to vector<1x128xi32>
      %select_n3A_80 = arith.select %eq3A_78, %broadcast_in_dim3A_79, %scan3A_57 : vector<1x128xi1>, vector<1x128xi32>
      scf.yield %select_n3A_76, %select_n3A_80 : vector<32x128xf32>, vector<1x128xi32>
    }
    %scan3A_49 = arith.constant 100 : i32
    %swap3A = arith.constant 0 : index
    %swap3A_50 = arith.constant 0 : index
    %swap3A_51 = vector.load %arg1[%swap3A, %swap3A_50] : memref<1x128xi32, #tpu.memory_space<vmem>>, vector<1x128xi32>
    tpu.vector_store %arg1[%swap3A, %swap3A_50], %scan3A_39#1 {strides = array<i32>} : memref<1x128xi32, #tpu.memory_space<vmem>>, vector<1x128xi32>,
    %swap3A_52 = arith.constant 0 : index
    %swap3A_53 = arith.constant 0 : index
    %swap3A_54 = vector.load %arg2[%swap3A_52, %swap3A_53] : memref<1x128xi32, #tpu.memory_space<vmem>>, vector<1x128xi32>
    tpu.vector_store %arg2[%swap3A_52, %swap3A_53], %scan3A_48#1 {strides = array<i32>} : memref<1x128xi32, #tpu.memory_space<vmem>>, vector<1x128xi32>,
    return
  }
}

module attributes {stable_mosaic.version = 14 : i64} {
  func.func @_final_body(%arg0: memref<256x1024xf32, #tpu.memory_space<vmem>>, %arg1: memref<1024x512xf32, #tpu.memory_space<vmem>>, %arg2: memref<1x512xf32, #tpu.memory_space<vmem>>, %arg3: memref<2x512xf32, #tpu.memory_space<vmem>>, %arg4: memref<1x1xf32, #tpu.memory_space<vmem>>, %arg5: memref<1x1xf32, #tpu.memory_space<vmem>>) attributes {dimension_semantics = [], scalar_prefetch = 0 : i64, scratch_operands = 0 : i64, tpu.core_type = #tpu.core_type<tc>} {
    %get3A = arith.constant 0 : index
    %get3A_0 = arith.constant 0 : index
    %get3A_1 = vector.load %arg0[%get3A, %get3A_0] : memref<256x1024xf32, #tpu.memory_space<vmem>>, vector<256x1024xf32>
    %get3A_2 = arith.constant 0 : index
    %get3A_3 = arith.constant 0 : index
    %get3A_4 = vector.load %arg1[%get3A_2, %get3A_3] : memref<1024x512xf32, #tpu.memory_space<vmem>>, vector<1024x512xf32>
    %dot_general3A = arith.constant dense<0.000000e+00> : vector<256x512xf32>
    %dot_general3A_5 = tpu.matmul %get3A_1, %get3A_4, %dot_general3A {dimension_numbers = #tpu.dot_dimension_numbers<[1], [0], [0], [1], [0, 0, 1, 1], [], []>, transpose_lhs_hint = false} : vector<256x1024xf32>, vector<1024x512xf32>, vector<256x512xf32> -> vector<256x512xf32>
    %get3A_6 = arith.constant 0 : index
    %get3A_7 = arith.constant 0 : index
    %get3A_8 = vector.load %arg2[%get3A_6, %get3A_7] : memref<1x512xf32, #tpu.memory_space<vmem>>, vector<1x512xf32>
    %add3A = vector.broadcast %get3A_8 : vector<1x512xf32> to vector<256x512xf32>
    %add3A_9 = arith.addf %dot_general3A_5, %add3A : vector<256x512xf32>
    %max3A = arith.constant 0.000000e+00 : f32
    %max3A_10 = vector.broadcast %max3A : f32 to vector<256x512xf32>
    %max3A_11 = arith.maximumf %add3A_9, %max3A_10 : vector<256x512xf32>
    %iota3A = tpu.iota {dimensions = array<i32: 0>} : vector<256x512xi32>
    %lt3A = arith.constant 128 : i32
    %lt3A_12 = vector.broadcast %lt3A : i32 to vector<256x512xi32>
    %lt3A_13 = arith.cmpi slt, %iota3A, %lt3A_12 : vector<256x512xi32>
    %get3A_14 = arith.constant 0 : index
    %get3A_15 = arith.constant 0 : index
    %get3A_16 = vector.load %arg3[%get3A_14, %get3A_15] : memref<2x512xf32, #tpu.memory_space<vmem>>, vector<1x512xf32>
    %get3A_17 = arith.constant 1 : index
    %get3A_18 = arith.constant 0 : index
    %get3A_19 = vector.load %arg3[%get3A_17, %get3A_18] : memref<2x512xf32, #tpu.memory_space<vmem>>, vector<1x512xf32>
    %broadcast_in_dim3A = vector.shape_cast %get3A_16 : vector<1x512xf32> to vector<1x512xf32>
    %broadcast_in_dim3A_20 = vector.broadcast %broadcast_in_dim3A : vector<1x512xf32> to vector<256x512xf32>
    %broadcast_in_dim3A_21 = vector.shape_cast %get3A_19 : vector<1x512xf32> to vector<1x512xf32>
    %broadcast_in_dim3A_22 = vector.broadcast %broadcast_in_dim3A_21 : vector<1x512xf32> to vector<256x512xf32>
    %select_n3A = arith.select %lt3A_13, %broadcast_in_dim3A_20, %broadcast_in_dim3A_22 : vector<256x512xi1>, vector<256x512xf32>
    %lt3A_23 = arith.constant 100 : i32
    %lt3A_24 = vector.broadcast %lt3A_23 : i32 to vector<256x512xi32>
    %lt3A_25 = arith.cmpi slt, %iota3A, %lt3A_24 : vector<256x512xi32>
    %ge3A = arith.constant 128 : i32
    %ge3A_26 = vector.broadcast %ge3A : i32 to vector<256x512xi32>
    %ge3A_27 = arith.cmpi sge, %iota3A, %ge3A_26 : vector<256x512xi32>
    %lt3A_28 = arith.constant 228 : i32
    %lt3A_29 = vector.broadcast %lt3A_28 : i32 to vector<256x512xi32>
    %lt3A_30 = arith.cmpi slt, %iota3A, %lt3A_29 : vector<256x512xi32>
    %and3A = arith.andi %ge3A_27, %lt3A_30 : vector<256x512xi1>
    %or3A = arith.ori %lt3A_25, %and3A : vector<256x512xi1>
    %mul3A = arith.mulf %max3A_11, %select_n3A : vector<256x512xf32>
    %jit3A = arith.constant 0.000000e+00 : f32
    %broadcast_in_dim3A_31 = vector.broadcast %jit3A : f32 to vector<256x512xf32>
    %select_n3A_32 = arith.select %or3A, %mul3A, %broadcast_in_dim3A_31 : vector<256x512xi1>, vector<256x512xf32>
    %reduce_sum3A = vector.shape_cast %select_n3A_32 : vector<256x512xf32> to vector<1x256x512xf32>
    %reduce_sum3A_33 = arith.constant dense<0.000000e+00> : vector<1xf32>
    %reduce_sum3A_34 = vector.multi_reduction <add>, %reduce_sum3A, %reduce_sum3A_33 [1, 2] : vector<1x256x512xf32> to vector<1xf32>
    %reduce_sum3A_35 = vector.shape_cast %reduce_sum3A_34 : vector<1xf32> to vector<1x1x1xf32>
    %reduce_sum3A_36 = vector.extract %reduce_sum3A_35[0, 0, 0] : f32 from vector<1x1x1xf32>
    %broadcast_in_dim3A_37 = vector.broadcast %reduce_sum3A_36 : f32 to vector<1x1xf32>
    %div3A = arith.constant 1.000000e+02 : f32
    %div3A_38 = vector.broadcast %div3A : f32 to vector<1x1xf32>
    %div3A_39 = arith.divf %broadcast_in_dim3A_37, %div3A_38 : vector<1x1xf32>
    %get3A_40 = arith.constant 0 : index
    %get3A_41 = arith.constant 0 : index
    %get3A_42 = vector.load %arg4[%get3A_40, %get3A_41] : memref<1x1xf32, #tpu.memory_space<vmem>>, vector<1x1xf32>
    %add3A_43 = arith.addf %div3A_39, %get3A_42 : vector<1x1xf32>
    %swap3A = arith.constant 0 : index
    %swap3A_44 = arith.constant 0 : index
    %swap3A_45 = vector.load %arg5[%swap3A, %swap3A_44] : memref<1x1xf32, #tpu.memory_space<vmem>>, vector<1x1xf32>
    tpu.vector_store %arg5[%swap3A, %swap3A_44], %add3A_43 {strides = array<i32>} : memref<1x1xf32, #tpu.memory_space<vmem>>, vector<1x1xf32>,
    return
  }
}

</mosaic_0001>

<sc_bundles>
// kernel: kernel.6.cloned.1.call-start
scs
__scs_entry_jumppad:
0x0: {  	(pc) =	sbr.rel $0x88, $3  }
0x1: {  	(tag) =	ssettag $0x0;
	lr =	simm.s32 $0x1  }
0x2: {  	[smem:$0x3F97] =	sst lr;
	_ =	strace $0xD0000000  }
0x3: {  	_ = 	snop  }
0x4: {  	_ = 	snop  }
0x5: {  	_ = 	snop  }
0x6: {  	_ = 	snop  }
0x7: {  	_ = 	snop  }
__scs_overlays_trampoline_lowered:
0x8: {  	[smem:$0x3FA6] =	sst s0  }
0x9: {  	[smem:$0x3FA7] =	sst s1  }
0xa: {  	[smem:$0x3FA8] =	sst s2  }
0xb: {  	[smem:$0x3FA9] =	sst s3  }
0xc: {  	[smem:$0x3FAA] =	sst s4  }
0xd: {  	[smem:$0x3FAB] =	sst s5  }
0xe: {  	[smem:$0x3FAC] =	sst s6  }
0xf: {  	[smem:$0x3FAD] =	sst s7  }
0x10: {  	[smem:$0x3FAE] =	sst s8  }
0x11: {  	[smem:$0x3FAF] =	sst s9;
	s0 =	simm.s32 @!p0 $0x0  }
0x12: {  	s1 =	sld [smem:$0x3F95];
	s0 =	simm.s32 @p0 $0x1  }
0x13: {  	[smem:$0x3FB0] =	sst s0;
	s0 =	simm.s32 @!p1 $0x0  }
0x14: {  	s2 =	sld [smem:$0x3F94];
	s0 =	simm.s32 @p1 $0x1  }
0x15: {  	[smem:$0x3FB1] =	sst s0;
	s0 =	simm.s32 @!p2 $0x0  }
0x16: {  	s3 =	sld [smem:$0x3FDB];
	s0 =	simm.s32 @p2 $0x1  }
0x17: {  	s4 =	simm.s32 $0x1BF5;
	[smem:$0x3FB3] =	sst s0  }
0x18: {  	s0 =	sld [smem:$0x3F96];
	_ =	swait.ge [sflag:s4], $0x0  }
0x19: {  	s7 =	sld [smem:$0x3F97]  }
0x1a: {  	s8 =	sadd.s32 $0xFFFFE003, lr  }
0x1b: {  	s9 =	sadd.s32 $0xFFFFFEF7, lr;
	s5 =	simm.s32 $0xFFFFFFFF;
	p2 =	slt.u32 s8, $0xFFFFF086  }
0x1c: {  	p1 =	slt.u32 s9, $0xF7A;
	s5 =	simm.s32 @!p2 $0x0  }
0x1d: {  	s5 =	simm.s32 @p1 $0x1;
	p0 =	seq.s32 s7, s2  }
0x1e: {  	s7 =	smul.u32 @!p0 $0xF7A, s2;
	p2 =	seq.s32 @!p0 s5, $0x0  }
0x1f: {  	s9 =	smul.u32 $0xF7A, s1;
	s8 =	simm.s32 @!p0 $0x1BF5;
	p2 =	por !p2, p0  }
0x20: {  	[sflag:s8] =	ssyncset.s32 @!p0 $0xFFFFF086;
	s6 =	sadd.s32 @!p0 s3, s7;
	s7 =	simm.s32 @!p0 $0x108  }
0x21: {  	s3 =	sadd.s32 s3, s9;
	s6 =	sadd.s32 @!p0 $0x88, s6;
	s7 =	simm.s32 @p2 $0x1082  }
0x22: {  	[simem:s7], [sflag:s8] =	dma.local @!p0 [hbm:s6], $0xF7A  }
0x23: {  	s9 =	sor.u32 $0xD0000000, s2;
	s6 =	simm.s32 $0x108;
	_ =	swait.ge @!p0 [sflag:s8], $0x0  }
0x24: {  	s3 =	sadd.s32 $0x88, s3;
	s6 =	simm.s32 @!p1 $0x1082;
	[sflag:s4] =	ssyncset.s32 $0xFFFFF086  }
0x25: {  	[simem:s6], [sflag:s4] =	dma.local [hbm:s3], $0xF7A  }
0x26: {  	[smem:$0x3F97] =	sst s1;
	(tag) =	ssettag s2;
	_ =	strace s9  }
0x27: {  	s1 =	sld [smem:$0x3FA7]  }
0x28: {  	s2 =	sld [smem:$0x3FA8]  }
0x29: {  	s4 =	sld [smem:$0x3FAA]  }
0x2a: {  	p0 =	seq.s32 s5, $0x0;
	s5 =	sld [smem:$0x3FAB]  }
0x2b: {  	s6 =	sld [smem:$0x3FAC]  }
0x2c: {  	s7 =	sld [smem:$0x3FAD]  }
0x2d: {  	s3 =	simm.s32 $0x108;
	s8 =	sld [smem:$0x3FAE]  }
0x2e: {  	s3 =	simm.s32 @!p0 $0x1082;
	s9 =	sld [smem:$0x3FAF]  }
0x2f: {  	lr =	sadd.s32 s0, s3;
	s0 =	sld [smem:$0x3FA6]  }
0x30: {  	s3 =	sld [smem:$0x3FA9]  }
0x31: {  	[smem:$0x3FB2] =	sst s10  }
0x32: {  	s10 =	sld [smem:$0x3FB0];
	_ =	sdelay $0x3  }
0x33: {  	p0 =	seq.s32 s10, $0x1;
	s10 =	sld [smem:$0x3FB2];
	_ =	sdelay $0x3  }
0x34: {  	[smem:$0x3FB2] =	sst s10  }
0x35: {  	s10 =	sld [smem:$0x3FB1];
	_ =	sdelay $0x3  }
0x36: {  	p1 =	seq.s32 s10, $0x1;
	s10 =	sld [smem:$0x3FB2];
	_ =	sdelay $0x3  }
0x37: {  	[smem:$0x3FB2] =	sst s10  }
0x38: {  	s10 =	sld [smem:$0x3FB3]  }
0x39: {  	_ = 	snop;
	(pc) =	sbr.ind lr, $3  }
0x3a: {  	_ = 	snop  }
0x3b: {  	_ = 	snop  }
0x3c: {  	p2 =	seq.s32 s10, $0x1;
	s10 =	sld [smem:$0x3FB2]  }
0x3d: {  	_ =	shalt  }
0x3e: {  	_ =	shalt  }
0x3f: {  	_ =	shalt  }
0x40: {  	_ =	shalt  }
0x41: {  	_ =	shalt  }
0x42: {  	_ =	shalt  }
0x43: {  	_ =	shalt  }
0x44: {  	_ =	shalt  }
0x45: {  	_ =	shalt  }
0x46: {  	_ =	shalt  }
0x47: {  	_ =	shalt  }
0x48: {  	_ =	shalt  }
0x49: {  	_ =	shalt  }
0x4a: {  	_ =	shalt  }
0x4b: {  	_ =	shalt  }
0x4c: {  	_ =	shalt  }
0x4d: {  	_ =	shalt  }
0x4e: {  	_ =	shalt  }
0x4f: {  	_ =	shalt  }
0x50: {  	_ =	shalt  }
0x51: {  	_ =	shalt  }
0x52: {  	_ =	shalt  }
0x53: {  	_ =	shalt  }
0x54: {  	_ =	shalt  }
0x55: {  	_ =	shalt  }
0x56: {  	_ =	shalt  }
0x57: {  	_ =	shalt  }
0x58: {  	_ =	shalt  }
0x59: {  	_ =	shalt  }
0x5a: {  	_ =	shalt  }
0x5b: {  	_ =	shalt  }
0x5c: {  	_ =	shalt  }
0x5d: {  	_ =	shalt  }
0x5e: {  	_ =	shalt  }
0x5f: {  	_ =	shalt  }
0x60: {  	_ =	shalt  }
0x61: {  	_ =	shalt  }
0x62: {  	_ =	shalt  }
0x63: {  	_ =	shalt  }
0x64: {  	_ =	shalt  }
0x65: {  	_ =	shalt  }
0x66: {  	_ =	shalt  }
0x67: {  	_ =	shalt  }
0x68: {  	_ =	shalt  }
0x69: {  	_ =	shalt  }
0x6a: {  	_ =	shalt  }
0x6b: {  	_ =	shalt  }
0x6c: {  	_ =	shalt  }
0x6d: {  	_ =	shalt  }
0x6e: {  	_ =	shalt  }
0x6f: {  	_ =	shalt  }
0x70: {  	_ =	shalt  }
0x71: {  	_ =	shalt  }
0x72: {  	_ =	shalt  }
0x73: {  	_ =	shalt  }
0x74: {  	_ =	shalt  }
0x75: {  	_ =	shalt  }
0x76: {  	_ =	shalt  }
0x77: {  	_ =	shalt  }
0x78: {  	_ =	shalt  }
0x79: {  	_ =	shalt  }
0x7a: {  	_ =	shalt  }
0x7b: {  	_ =	shalt  }
0x7c: {  	_ =	shalt  }
0x7d: {  	_ =	shalt  }
0x7e: {  	_ =	shalt  }
0x7f: {  	_ =	shalt  }
0x80: {  	_ =	shalt  }
0x81: {  	_ =	shalt  }
0x82: {  	_ =	shalt  }
0x83: {  	_ =	shalt  }
0x84: {  	_ =	shalt  }
0x85: {  	_ =	shalt  }
0x86: {  	_ =	shalt  }
0x87: {  	_ =	shalt  }
.Lfunc_end0:
.L_simem_size_0:
called_computation_lowered:
.L_overlay_start_0:
0x88: {  	s2 =	sld [smem:$0x3FD9]  }
0x89: {  	s3 =	sld [smem:$0x3FFE];
	_ =	sdelay $0x1  }
0x8a: {  	s1 =	srdreg.scid  }
0x8b: {  	s0 =	sand.u32 $0x1, s1  }
0x8c: {  	s17 =	sshll.u32 s0, $0xA;
	s2 =	sadd.s32 s3, s2  }
0x8d: {  	s2 =	sadd.s32 s2, s17  }
0x8e: {  	[smem:$0x3FBE] =	sst s2  }
0x8f: {  	_ = 	snop  }
0x90: {  	s2 =	sld [smem:$0x3FC9];
	(tm) =	ssettm $0x1  }
0x91: {  	s18 =	sld [smem:$0x3FFB];
	_ =	sdelay $0x3  }
0x92: {  	_ =	strace s18  }
0x93: {  	s3 =	sld [smem:$0x3FFC];
	_ =	sdelay $0x3  }
0x94: {  	_ =	strace s3  }
0x95: {  	s3 =	sld [smem:$0x3FFD];
	_ =	sdelay $0x3  }
0x96: {  	_ =	strace s3  }
0x97: {  	_ =	strace $0x8FFFFFFF  }
0x98: {  	s19 =	sld [smem:$0x3FDB];
	_ =	sdelay $0x1  }
0x99: {  	s4 =	simm.s32 $_scs_section_size  }
0x9a: {  	s5 =	simm.s32 $_size__tile_overlayer_lowered;
	s6 =	simm.s32 $_tile_overlayer_lowered  }
0x9b: {  	s22 =	simm.s32 $0x1BFF;
	s21 =	sshll.u32 s6, $0x1;
	s3 =	sadd.s32 s4, s19  }
0x9c: {  	s7 =	simm.s32 $0x0;
	s20 =	sshll.u32 s5, $0x1;
	s5 =	sadd.s32 s21, s3  }
0x9d: {  	[timem:s7], [sflag:s22] =	dma.local [hbm:s5], s20  }
0x9e: {  	_ =	swait.ge [sflag:s22], s20  }
0x9f: {  	s4 =	ssub.s32 $0x0, s20;
	[sflag:s22] =	ssyncset.done $0x0  }
0xa0: {  	[sflag:s22] =	ssyncadd.s32 s4;
	_ =	sdelay $0x1  }
0xa1: {  	s23 =	simm.s32 $0x1B8B  }
0xa2: {  	_ =	swait.ge [sflag:s23], $0x1  }
0xa3: {  	[sflag:s23] =	ssyncset.done $0x0  }
0xa4: {  	s25 =	simm.s32 $0x1B8E;
	s24 =	sld [smem:$0x3FFE];
	[sflag:s23] =	ssyncadd.s32 $0xFFFFFFFF  }
0xa5: {  	s26 =	simm.s32 $execute0_lowered;
	[smem:$0x3FD2] =	sst s25  }
0xa6: {  	s5 =	sshll.u32 s26, $0x1;
	_ =	strace $0x80000046;
	[dreg:$0x1] =	wrdreg $0xFFFFFFFF  }
0xa7: {  	s28 =	simm.s32 $_size_execute0_lowered;
	s3 =	sadd.s32 s3, s5;
	[dreg:$0x0] =	wrdreg $0x0  }
0xa8: {  	s5 =	sshll.u32 s28, $0x1;
	[dreg:$0x2] =	wrdreg s3  }
0xa9: {  	[dreg:$0x3] =	wrdreg s5  }
0xaa: {  	[dreg:$0x4] =	wrdreg $0xC0  }
0xab: {  	_ =	task [dreg:s7], $0x5FFFF  }
0xac: {  	[dreg:$0x1] =	wrdreg $0xFFFFFFFF  }
0xad: {  	[dreg:$0x0] =	wrdreg $0x60  }
0xae: {  	[dreg:$0x2] =	wrdreg s2  }
0xaf: {  	[dreg:$0x3] =	wrdreg s24  }
0xb0: {  	[dreg:$0x4] =	wrdreg $0x9  }
0xb1: {  	_ =	task.clear_ibuf [dreg:s7], $0x5FFFF;
	_ =	strace $0x90000046  }
0xb2: {  	s29 =	simm.s32 $0x9;
	_ =	strace $0x80000048  }
0xb3: {  	_ =	swait.ge [sflag:s29], $0x1  }
0xb4: {  	[sflag:s29] =	ssyncadd.s32 $0xFFFFFFFF  }
0xb5: {  	_ =	strace $0x90000048  }
0xb6: {  	_ =	sfence  }
0xb7: {  	s30 =	sld [smem:$0x0];
	_ =	sdelay $0x2  }
0xb8: {  	s31 =	sshll.u32 s1, $0xD;
	s1 =	sshrl.u32 s1, $0x2  }
0xb9: {  	s3 =	sand.u32 $0x4000, s31;
	s1 =	sadd.s32 s1, s30  }
0xba: {  	s0 =	sor.u32 s3, s0;
	s1 =	sshll.u32 s1, $0x11  }
0xbb: {  	s0 =	sor.u32 s1, s0  }
0xbc: {  	s0 =	sadd.s32 $0x8F2B, s0  }
0xbd: {  	[sflag:s0] =	ssyncadd.remote.s32 $0x1  }
0xbe: {  	_ =	sfence.sel $0xFFFF  }
0xbf: {  	[dreg:$0x0] =	wrdreg $0xFFFFFFFF;
	(pc) =	sbr.abs _section_cstart, $3  }
0xc0: {  	[dreg:$0x1] =	wrdreg $0xFFFFFFFF  }
0xc1: {  	_ =	task.clear_ibuf [dreg:s7], $0x2FFFF;
	_ =	strace $0x9FFFFFFF  }
0xc2: {  	(tm) =	ssettm $0x7FFFFFFF  }
0xc3: {  	_ =	shalt  }
tec
execute0_lowered:
.L_overlay_start_1:
0x0: {  	(tag) =	ssettag $0x1  }
0x1: {  	s1 =	srdreg.scid  }
0x2: {  	s0 =	stileid.u32;
	s9 =	sand.u32 $0x1, s1  }
0x3: {  	s2 =	rddreg [dreg:$0x0];
	s30 =	sshll.u32 s0, $0x4;
	s3 =	sshll.u32 s9, $0x3  }
0x4: {  	s14 =	rddreg [dreg:$0x1];
	s15 =	sor.u32 s3, s30  }
0x5: {  	s1 =	rddreg [dreg:$0x2];
	s3 =	simm.s32 $0x0;
	s4 =	sshrl.u32 s15, $0x3  }
0x6: {  	[smem:$0x7FF] =	sst s3;
	s4 =	sadd.s32 s4, s14  }
0x7: {  	_ =	strace $0x80000047;
	s5 =	sadd.s32 $0x1200, s4;
	s4 =	simm.s32 $0x2  }
0x8: {  	[tilespmem:s3], [sflag:$0x2] =	stream.linear.gather [hbm4b:s5+s3], $0x8, $0x38;
	[tilespmem:$0x2080] =	vst v63  }
0x9: {  	_ =	swait.ge [sflag:s4], $0x8  }
0xa: {  	[sflag:s4] =	ssyncset.done $0x0  }
0xb: {  	[sflag:s4] =	ssyncadd.s32 $0xFFFFFFF8  }
0xc: {  	v0 =	vld.msk [tilespmem:$0x0], $0xff;
	_ =	sdelay $0x4  }
0xd: {  	v1 =	vshll.u32 v0, $0x3  }
0xe: {  	v2 =	vlaneseq.u32;
	v3 =	vand.u32 $0x7, v0;
	v1 =	vand.u32 $0xFFFFFFC0, v1  }
0xf: {  	v0 =	vand.u32 $0x7, v2;
	v2 =	vshrl.u32 v2, $0x3;
	v3 =	vor.u32 v3, v1  }
0x10: {  	v1 =	vmul.u32 $0x8, v2;
	v2 =	vperm.xlane v3, v0;
	_ =	sdelay $0x1  }
0x11: {  	v2 =	vadd.s32 v1, v2;
	_ =	sdelay $0x2  }
0x12: {  	s6 =	simm.s32 $0x80;
	s8 =	simm.s32 $0x880  }
0x13: {  	vm0 =	vmmov $0xffff;
	s10 =	simm.s32 $0x1080;
	s12 =	simm.s32 $0x1880;
	s16 =	ssub.s32 $0x2, s9  }
0x14: {  	[tilespmem:s6], [sflag:$0x1] =	stream.indirect_vreg.gather [hbm4b:s2+s3], $0x80, v2, vm0, $0xb8;
	[tilespmem:$0x2080] =	vst v63  }
0x15: {  	s13 =	simm.s32 $0x1;
	s7 =	sadd.s32 $0x100, s2;
	s17 =	sshrl.u32 s16, $0x1  }
0x16: {  	[tilespmem:s8], [sflag:$0x1] =	stream.indirect_vreg.gather [hbm4b:s7+s3], $0x80, v2, vm0, $0xb8;
	[tilespmem:$0x2080] =	vst v63  }
0x17: {  	s9 =	sadd.s32 $0x200, s2;
	s15 =	sshll.u32 s15, $0x7;
	s31 =	ssub.s32 s16, s17  }
0x18: {  	[tilespmem:s10], [sflag:$0x1] =	stream.indirect_vreg.gather [hbm4b:s9+s3], $0x80, v2, vm0, $0xb8;
	[tilespmem:$0x2080] =	vst v63  }
0x19: {  	s11 =	sadd.s32 $0x300, s2;
	s14 =	sadd.s32 s15, s14;
	s15 =	smax.u32 s31, $0x1  }
0x1a: {  	[tilespmem:s12], [sflag:$0x1] =	stream.indirect_vreg.gather [hbm4b:s11+s3], $0x80, v2, vm0, $0xb8;
	[tilespmem:$0x2080] =	vst v63  }
0x1b: {  	p0 =	sne.s32 s15, $0x1;
	_ =	swait.ge [sflag:s13], $0x2000  }
.Ltmp0:
0x1c: {  	[sflag:s13] =	ssyncset.done $0x0;
	(pc) =	sbr.rel @!p0 .LBB2_2-.Ltmp0, $4  }
0x1d: {  	s14 =	sadd.s32 $0x1400, s14;
	[sflag:s13] =	ssyncadd.s32 $0xFFFFE000  }
0x1e: {  	[hbm4b:s14+s3] =	stream.linear.scatter [tilespmem:s6], [sflag:$0x2], $0x2000, $0x38;
	[tilespmem:$0x2080] =	vst v63  }
0x1f: {  	_ =	swait.ge [sflag:s4], $0x2000  }
0x20: {  	s15 =	sadd.s32 $0xFFFFFFFF, s15;
	[sflag:s4] =	ssyncset.done $0x0  }
.LBB2_1:
0x21: {  	p0 =	sne.s32 s15, $0x1;
	s15 =	sadd.s32 $0xFFFFFFFF, s15;
	[sflag:s4] =	ssyncadd.s32 $0xFFFFE000  }
0x22: {  	[tilespmem:s3], [sflag:$0x2] =	stream.linear.gather [hbm4b:s5+s3], $0x8, $0x38;
	[tilespmem:$0x2080] =	vst v63  }
0x23: {  	_ =	swait.ge [sflag:s4], $0x8  }
0x24: {  	[sflag:s4] =	ssyncset.done $0x0  }
0x25: {  	[sflag:s4] =	ssyncadd.s32 $0xFFFFFFF8  }
0x26: {  	v2 =	vld.msk [tilespmem:$0x0], $0xff;
	_ =	sdelay $0x4  }
0x27: {  	v3 =	vshll.u32 v2, $0x3  }
0x28: {  	v2 =	vand.u32 $0x7, v2;
	v3 =	vand.u32 $0xFFFFFFC0, v3  }
0x29: {  	v2 =	vor.u32 v2, v3  }
0x2a: {  	v2 =	vperm.xlane v2, v0;
	_ =	sdelay $0x1  }
0x2b: {  	v2 =	vadd.s32 v1, v2;
	_ =	sdelay $0x4  }
0x2c: {  	[tilespmem:s6], [sflag:$0x1] =	stream.indirect_vreg.gather [hbm4b:s2+s3], $0x80, v2, vm0, $0xb8;
	[tilespmem:$0x2080] =	vst v63  }
0x2d: {  	_ = 	snop  }
0x2e: {  	[tilespmem:s8], [sflag:$0x1] =	stream.indirect_vreg.gather [hbm4b:s7+s3], $0x80, v2, vm0, $0xb8;
	[tilespmem:$0x2080] =	vst v63  }
0x2f: {  	_ = 	snop  }
0x30: {  	[tilespmem:s10], [sflag:$0x1] =	stream.indirect_vreg.gather [hbm4b:s9+s3], $0x80, v2, vm0, $0xb8;
	[tilespmem:$0x2080] =	vst v63  }
0x31: {  	_ = 	snop  }
0x32: {  	[tilespmem:s12], [sflag:$0x1] =	stream.indirect_vreg.gather [hbm4b:s11+s3], $0x80, v2, vm0, $0xb8;
	[tilespmem:$0x2080] =	vst v63  }
0x33: {  	_ =	swait.ge [sflag:s13], $0x2000  }
.Ltmp1:
0x34: {  	[sflag:s13] =	ssyncset.done $0x0;
	(pc) =	sbr.rel @p0 .LBB2_1-.Ltmp1, $4  }
0x35: {  	[sflag:s13] =	ssyncadd.s32 $0xFFFFE000  }
0x36: {  	[hbm4b:s14+s3] =	stream.linear.scatter [tilespmem:s6], [sflag:$0x2], $0x2000, $0x38;
	[tilespmem:$0x2080] =	vst v63  }
0x37: {  	_ =	swait.ge [sflag:s4], $0x2000  }
0x38: {  	[sflag:s4] =	ssyncset.done $0x0  }
.LBB2_2:
0x39: {  	[sflag:s4] =	ssyncadd.s32 $0xFFFFE000  }
0x3a: {  	_ =	sfence.sel $0x180000  }
0x3b: {  	[bflag:$0x0] =	sbarrier.arrive $0xFFFF  }
0x3c: {  	p0 =	sne.s32 s0, $0x0;
	_ =	strace $0x90000047  }
0x3d: {  	s0 =	sadd.s32 @!p0 $0x100000, s1;
	[bflag:$0x2] =	sbarrier.arrive $0xFFFF  }
0x3e: {  	[sflag:s0] =	ssyncadd.tile.s32 @!p0 $0x1;
	_ =	shalt  }
.Lfunc_end2:
_tile_overlayer_lowered:
.L_overlay_start_2:
0x3f: {  	(tag) =	ssettag $0x2  }
0x40: {  	s0 =	rddreg [dreg:$0x0];
	s2 =	stileid.u32  }
0x41: {  	s1 =	rddreg [dreg:$0x1];
	p0 =	sne.s32 s2, $0x0  }
0x42: {  	s3 =	rddreg [dreg:$0x2];
	[bflag:$0x3] =	sbarrier.arrive $0xFFFF;
	s2 =	simm.s32 @!p0 $0x1C02  }
0x43: {  	[timem:s3], [sflag:s2] =	dma.local @!p0 [hbm:s0], s1  }
0x44: {  	s0 =	simm.s32 @!p0 $0x2  }
0x45: {  	_ =	swait.ge @!p0 [sflag:s0], s1  }
0x46: {  	s1 =	ssub.s32 @!p0 $0x0, s1;
	[sflag:s0] =	ssyncset.done @!p0 $0x0  }
0x47: {  	[sflag:s0] =	ssyncadd.s32 @!p0 s1  }
0x48: {  	[bflag:$0x3] =	sbarrier.arrive $0xFFFF  }
0x49: {  	_ =	shalt  }

</sc_bundles>
